<compile_context>
chip_gen: v7x
topology: tpu7x:2x2x1
jax: 0.10.2.dev20260603
libtpu: 0.0.44.dev20260713+nightly
codegen_flags: <defaults>
</compile_context>

<pallas_src>
import functools

import jax
import jax.numpy as jnp
from jax import lax
from jax.experimental import pallas as pl
from jax.experimental.pallas import tpu as pltpu
from jax.experimental.pallas import tpu_sc as plsc

NUM_EMB = 8192
DIM = 32
BETA = 0.25
ROWS = 16384
BLK = 512

_NC = 2
_NS = 16
_NW = _NC * _NS
_BPW = ROWS // _NW
_LANES = 16


def _argmin_body(xn_ref, x_ref, cb_ref, cbn_ref, ids_ref, dmin_ref):
    m = lax.dot_general(x_ref[...], cb_ref[...],
                        (((1,), (1,)), ((), ())),
                        preferred_element_type=jnp.float32)
    d = cbn_ref[...][None, :] + xn_ref[...][:, None] - 2.0 * m
    dmin = jnp.min(d, axis=-1, keepdims=True)
    jidx = lax.broadcasted_iota(jnp.int32, d.shape, 1)
    ids_ref[...] = jnp.min(jnp.where(d == dmin, jidx, NUM_EMB), axis=-1)
    dmin_ref[...] = dmin[:, 0]


def _argmin_call(xn, x_, code_book, cbn):
    grid = (ROWS // BLK,)
    return pl.pallas_call(
        _argmin_body,
        grid=grid,
        in_specs=[
            pl.BlockSpec((BLK,), lambda i: (i,)),
            pl.BlockSpec((BLK, DIM), lambda i: (i, 0)),
            pl.BlockSpec((NUM_EMB, DIM), lambda i: (0, 0)),
            pl.BlockSpec((NUM_EMB,), lambda i: (0,)),
        ],
        out_specs=[
            pl.BlockSpec((BLK,), lambda i: (i,)),
            pl.BlockSpec((BLK,), lambda i: (i,)),
        ],
        out_shape=[
            jax.ShapeDtypeStruct((ROWS,), jnp.int32),
            jax.ShapeDtypeStruct((ROWS,), jnp.float32),
        ],
    )(xn, x_, code_book, cbn)


def _sc_gather(code_book, ids_flat, dmin):
    mesh = plsc.VectorSubcoreMesh(core_axis_name="c", subcore_axis_name="s")

    @functools.partial(
        pl.kernel,
        mesh=mesh,
        out_type=[
            jax.ShapeDtypeStruct((ROWS, DIM), jnp.float32),
            jax.ShapeDtypeStruct((_NW, _LANES), jnp.float32),
        ],
        scratch_types=[
            pltpu.VMEM((_BPW,), jnp.int32),
            pltpu.VMEM((_BPW, DIM), jnp.float32),
            pltpu.VMEM((_BPW,), jnp.float32),
            pltpu.VMEM((_LANES,), jnp.float32),
            pltpu.SemaphoreType.DMA,
        ],
        compiler_params=pltpu.CompilerParams(use_tc_tiling_on_sc=False),
    )
    def gather(table_hbm, idx_hbm, dmin_hbm, out_hbm, lsum_hbm,
               idx_v, rows_v, dmin_v, acc_v, sem):
        wid = lax.axis_index("s") * _NC + lax.axis_index("c")
        base = wid * _BPW
        pltpu.sync_copy(idx_hbm.at[pl.ds(base, _BPW)], idx_v)
        cp = pltpu.async_copy(table_hbm.at[idx_v], rows_v, sem)
        pltpu.sync_copy(dmin_hbm.at[pl.ds(base, _BPW)], dmin_v)
        acc_v[...] = jnp.zeros((_LANES,), jnp.float32)

        def body(i, carry):
            acc_v[...] = acc_v[...] + dmin_v[pl.ds(i * _LANES, _LANES)]
            return carry

        lax.fori_loop(0, _BPW // _LANES, body, 0)
        pltpu.sync_copy(acc_v, lsum_hbm.at[wid])
        cp.wait()
        pltpu.sync_copy(rows_v, out_hbm.at[pl.ds(base, _BPW)])

    return gather(code_book, ids_flat, dmin)


def kernel(x, code_book):
    b, c, h, w = x.shape
    x_ = jnp.transpose(x, (0, 2, 3, 1)).reshape(-1, c)
    xn = jnp.sum(x_ ** 2, axis=-1)
    cbn = jnp.sum(code_book ** 2, axis=-1)
    ids_flat, dmin = _argmin_call(xn, x_, code_book, cbn)
    emb_flat, lsum = _sc_gather(code_book, ids_flat, dmin)
    ids = ids_flat.reshape(b, h, w)
    emb_st = jnp.transpose(emb_flat.reshape(b, h, w, c), (0, 3, 1, 2))
    emb_loss = (1.0 + BETA) * jnp.sum(lsum) / (b * c * h * w)
    return (ids, emb_st, emb_loss)

# --- scband reference (transcript-rebuilt; emitter-appended) ---
"""Pipeline reference for scband-vector-quantizer-83056077571008 (READ-ONLY COPY).

The authoritative reference and input builder live on the scoring server;
editing this copy changes nothing except your own understanding.
"""

import jax, jax.numpy as jnp
import numpy as np

NUM_EMB = 8192
DIM = 32
BETA = 0.25

def setup_inputs(seed: int = 0):
    key = jax.random.key(seed)
    k1, k2 = jax.random.split(key)
    x = jax.random.normal(k1, (16, 32, 32, 32), dtype=jnp.float32)
    code_book = jax.random.uniform(k2, (NUM_EMB, DIM), minval=-1.0 / NUM_EMB, maxval=1.0 / NUM_EMB, dtype=jnp.float32)
    return {"x": x, "code_book": code_book}

def reference(x, code_book):
    b, c, h, w = x.shape
    # rearrange 'b c h w -> (b h w) c'
    x_ = jnp.transpose(x, (0, 2, 3, 1)).reshape(-1, c)
    sq = jnp.sum(code_book ** 2, axis=-1)[None, :] + jnp.sum(x_ ** 2, axis=-1)[:, None]
    dist = sq - 2.0 * (x_ @ code_book.T)
    ids_flat = jnp.argmin(dist, axis=-1)
    ids = ids_flat.reshape(b, h, w)
    emb = jnp.take(code_book, ids, axis=0)  # (b, h, w, c)
    emb = jnp.transpose(emb, (0, 3, 1, 2))  # (b, c, h, w)
    dict_loss = jnp.mean((jax.lax.stop_gradient(x) - emb) ** 2)
    commitment_loss = BETA * jnp.mean((x - jax.lax.stop_gradient(emb)) ** 2)
    emb_loss = dict_loss + commitment_loss
    emb_st = x + jax.lax.stop_gradient(emb - x)
    return (ids, emb_st, emb_loss)

if __name__ == "__main__":
    import jax
    _d = setup_inputs()
    print(jax.jit(kernel)(*tuple(_d.values())))

</pallas_src>

<mosaic_0001>
#map = affine_map<(d0, d1) -> (0, 0)>
#map1 = affine_map<(d0, d1) -> (0)>
module attributes {stable_mosaic.version = 14 : i64} {
  func.func @gather(%arg0: i32, %arg1: i32, %arg2: memref<8192x32xf32, #tpu.memory_space<hbm>>, %arg3: memref<16384xi32, #tpu.memory_space<hbm>>, %arg4: memref<16384xf32, #tpu.memory_space<hbm>>, %arg5: memref<16384x32xf32, #tpu.memory_space<hbm>>, %arg6: memref<32x16xf32, #tpu.memory_space<hbm>>, %arg7: memref<512xi32, #tpu.memory_space<vmem>>, %arg8: memref<512x32xf32, #tpu.memory_space<vmem>>, %arg9: memref<512xf32, #tpu.memory_space<vmem>>, %arg10: memref<16xf32, #tpu.memory_space<vmem>>, %arg11: memref<!tpu.dma_semaphore, #tpu.memory_space<semaphore_mem>>) attributes {dimension_semantics = [#tpu.dimension_semantics<core_parallel>, #tpu.dimension_semantics<subcore_parallel>], iteration_bounds = array<i64: 2, 16>, scalar_prefetch = 0 : i64, scratch_operands = 5 : i64, tpu.core_type = #tpu.core_type<sc_vector_subcore>, window_params = [{transform_indices = #map}, {transform_indices = #map1}, {transform_indices = #map1}, {transform_indices = #map}, {transform_indices = #map}]} {
    %mul3A = arith.constant 2 : i32
    %mul3A_0 = arith.muli %arg1, %mul3A : i32
    %add3A = arith.addi %mul3A_0, %arg0 : i32
    %mul3A_1 = arith.constant 512 : i32
    %mul3A_2 = arith.muli %add3A, %mul3A_1 : i32
    "tpu.region"() ({
      %run_scoped3A = tpu.sem_alloc : memref<!tpu.dma_semaphore, #tpu.memory_space<semaphore_mem>>
      %dma_start3A_16 = tpu.memref_slice %arg3[%mul3A_2] : memref<16384xi32, #tpu.memory_space<hbm>> -> memref<512xi32, #tpu.memory_space<hbm>>
      %dma_start3A_17 = tpu.memref_slice %arg3[%mul3A_2] : memref<16384xi32, #tpu.memory_space<hbm>> -> memref<512xi32, #tpu.memory_space<hbm>>
      tpu.enqueue_dma source(%dma_start3A_17 : memref<512xi32, #tpu.memory_space<hbm>>) target(%arg7 : memref<512xi32, #tpu.memory_space<vmem>>) target_semaphore(%run_scoped3A : memref<!tpu.dma_semaphore, #tpu.memory_space<semaphore_mem>>)
      %dma_wait3A_18 = tpu.memref_slice %arg3[%mul3A_2] : memref<16384xi32, #tpu.memory_space<hbm>> -> memref<512xi32, #tpu.memory_space<hbm>>
      %dma_wait3A_19 = tpu.memref_slice %arg3[%mul3A_2] : memref<16384xi32, #tpu.memory_space<hbm>> -> memref<512xi32, #tpu.memory_space<hbm>>
      tpu.wait_dma2 semaphore(%run_scoped3A : memref<!tpu.dma_semaphore, #tpu.memory_space<semaphore_mem>>) src(%dma_wait3A_19 : memref<512xi32, #tpu.memory_space<hbm>>) dst(%arg7 : memref<512xi32, #tpu.memory_space<vmem>>)
      tpu.yield
    }) : () -> ()
    %dma_start3A = arith.constant 0 : i32
    %dma_start3A_3 = arith.constant 0 : i32
    %dma_start3A_4 = tpu.memref_slice %arg2[%dma_start3A, %dma_start3A_3] : memref<8192x32xf32, #tpu.memory_space<hbm>> -> memref<8192x32xf32, #tpu.memory_space<hbm>>
    tpu.enqueue_indirect_dma source(%dma_start3A_4 : memref<8192x32xf32, #tpu.memory_space<hbm>>) target(%arg8 : memref<512x32xf32, #tpu.memory_space<vmem>>) offsets(%arg7 : memref<512xi32, #tpu.memory_space<vmem>>) semaphore(%arg11 : memref<!tpu.dma_semaphore, #tpu.memory_space<semaphore_mem>>)
    "tpu.region"() ({
      %run_scoped3A = tpu.sem_alloc : memref<!tpu.dma_semaphore, #tpu.memory_space<semaphore_mem>>
      %dma_start3A_16 = tpu.memref_slice %arg4[%mul3A_2] : memref<16384xf32, #tpu.memory_space<hbm>> -> memref<512xf32, #tpu.memory_space<hbm>>
      %dma_start3A_17 = tpu.memref_slice %arg4[%mul3A_2] : memref<16384xf32, #tpu.memory_space<hbm>> -> memref<512xf32, #tpu.memory_space<hbm>>
      tpu.enqueue_dma source(%dma_start3A_17 : memref<512xf32, #tpu.memory_space<hbm>>) target(%arg9 : memref<512xf32, #tpu.memory_space<vmem>>) target_semaphore(%run_scoped3A : memref<!tpu.dma_semaphore, #tpu.memory_space<semaphore_mem>>)
      %dma_wait3A_18 = tpu.memref_slice %arg4[%mul3A_2] : memref<16384xf32, #tpu.memory_space<hbm>> -> memref<512xf32, #tpu.memory_space<hbm>>
      %dma_wait3A_19 = tpu.memref_slice %arg4[%mul3A_2] : memref<16384xf32, #tpu.memory_space<hbm>> -> memref<512xf32, #tpu.memory_space<hbm>>
      tpu.wait_dma2 semaphore(%run_scoped3A : memref<!tpu.dma_semaphore, #tpu.memory_space<semaphore_mem>>) src(%dma_wait3A_19 : memref<512xf32, #tpu.memory_space<hbm>>) dst(%arg9 : memref<512xf32, #tpu.memory_space<vmem>>)
      tpu.yield
    }) : () -> ()
    %broadcast_in_dim3A = arith.constant 0.000000e+00 : f32
    %broadcast_in_dim3A_5 = vector.broadcast %broadcast_in_dim3A : f32 to vector<16xf32>
    %swap3A = arith.constant 0 : index
    %swap3A_6 = tpu.vector_load %arg10[%swap3A] {strides = array<i32>} : memref<16xf32, #tpu.memory_space<vmem>>, vector<16xf32>,
    %swap3A_7 = vector.shape_cast %swap3A_6 : vector<16xf32> to vector<16xf32>
    %swap3A_8 = vector.shape_cast %broadcast_in_dim3A_5 : vector<16xf32> to vector<16xf32>
    tpu.vector_store %arg10[%swap3A], %swap3A_8 {strides = array<i32>} : memref<16xf32, #tpu.memory_space<vmem>>, vector<16xf32>,
    %scan3A = arith.constant 0 : i32
    %scan3A_9 = arith.constant 0 : i32
    %scan3A_10 = arith.constant 32 : i32
    %scan3A_11 = arith.addi %scan3A_9, %scan3A_10 : i32
    %scan3A_12 = arith.constant 1 : i32
    scf.for %scan3A_16 = %scan3A_9 to %scan3A_11 step %scan3A_12  : i32 {
      %get3A = arith.constant 0 : index
      %get3A_17 = tpu.vector_load %arg10[%get3A] {strides = array<i32>} : memref<16xf32, #tpu.memory_space<vmem>>, vector<16xf32>,
      %get3A_18 = vector.shape_cast %get3A_17 : vector<16xf32> to vector<16xf32>
      %mul3A_19 = arith.constant 16 : i32
      %mul3A_20 = arith.muli %scan3A_16, %mul3A_19 : i32
      %get3A_21 = arith.index_cast %mul3A_20 : i32 to index
      %get3A_22 = tpu.vector_load %arg9[%get3A_21] {strides = array<i32>} : memref<512xf32, #tpu.memory_space<vmem>>, vector<16xf32>,
      %get3A_23 = vector.shape_cast %get3A_22 : vector<16xf32> to vector<16xf32>
      %add3A_24 = arith.addf %get3A_18, %get3A_23 : vector<16xf32>
      %swap3A_25 = arith.constant 0 : index
      %swap3A_26 = tpu.vector_load %arg10[%swap3A_25] {strides = array<i32>} : memref<16xf32, #tpu.memory_space<vmem>>, vector<16xf32>,
      %swap3A_27 = vector.shape_cast %swap3A_26 : vector<16xf32> to vector<16xf32>
      %swap3A_28 = vector.shape_cast %add3A_24 : vector<16xf32> to vector<16xf32>
      tpu.vector_store %arg10[%swap3A_25], %swap3A_28 {strides = array<i32>} : memref<16xf32, #tpu.memory_space<vmem>>, vector<16xf32>,
    }
    %scan3A_13 = arith.constant 32 : i32
    "tpu.region"() ({
      %run_scoped3A = tpu.sem_alloc : memref<!tpu.dma_semaphore, #tpu.memory_space<semaphore_mem>>
      %dma_start3A_16 = arith.constant 0 : i32
      %dma_start3A_17 = tpu.memref_slice %arg6[%add3A, %dma_start3A_16] : memref<32x16xf32, #tpu.memory_space<hbm>> -> memref<1x16xf32, #tpu.memory_space<hbm>>
      %dma_start3A_18 = tpu.memref_squeeze %dma_start3A_17 : memref<1x16xf32, #tpu.memory_space<hbm>> -> memref<16xf32, #tpu.memory_space<hbm>>
      %dma_start3A_19 = arith.constant 0 : i32
      %dma_start3A_20 = tpu.memref_slice %arg6[%add3A, %dma_start3A_19] : memref<32x16xf32, #tpu.memory_space<hbm>> -> memref<1x16xf32, #tpu.memory_space<hbm>>
      %dma_start3A_21 = tpu.memref_squeeze %dma_start3A_20 : memref<1x16xf32, #tpu.memory_space<hbm>> -> memref<16xf32, #tpu.memory_space<hbm>>
      tpu.enqueue_dma source(%arg10 : memref<16xf32, #tpu.memory_space<vmem>>) target(%dma_start3A_21 : memref<16xf32, #tpu.memory_space<hbm>>) target_semaphore(%run_scoped3A : memref<!tpu.dma_semaphore, #tpu.memory_space<semaphore_mem>>)
      %dma_wait3A_22 = arith.constant 0 : i32
      %dma_wait3A_23 = tpu.memref_slice %arg6[%add3A, %dma_wait3A_22] : memref<32x16xf32, #tpu.memory_space<hbm>> -> memref<1x16xf32, #tpu.memory_space<hbm>>
      %dma_wait3A_24 = tpu.memref_squeeze %dma_wait3A_23 : memref<1x16xf32, #tpu.memory_space<hbm>> -> memref<16xf32, #tpu.memory_space<hbm>>
      %dma_wait3A_25 = arith.constant 0 : i32
      %dma_wait3A_26 = tpu.memref_slice %arg6[%add3A, %dma_wait3A_25] : memref<32x16xf32, #tpu.memory_space<hbm>> -> memref<1x16xf32, #tpu.memory_space<hbm>>
      %dma_wait3A_27 = tpu.memref_squeeze %dma_wait3A_26 : memref<1x16xf32, #tpu.memory_space<hbm>> -> memref<16xf32, #tpu.memory_space<hbm>>
      tpu.wait_dma2 semaphore(%run_scoped3A : memref<!tpu.dma_semaphore, #tpu.memory_space<semaphore_mem>>) src(%arg10 : memref<16xf32, #tpu.memory_space<vmem>>) dst(%dma_wait3A_27 : memref<16xf32, #tpu.memory_space<hbm>>)
      tpu.yield
    }) : () -> ()
    %dma_wait3A = arith.constant 0 : i32
    %dma_wait3A_14 = arith.constant 0 : i32
    %dma_wait3A_15 = tpu.memref_slice %arg2[%dma_wait3A, %dma_wait3A_14] : memref<8192x32xf32, #tpu.memory_space<hbm>> -> memref<8192x32xf32, #tpu.memory_space<hbm>>
    tpu.wait_indirect_dma semaphore(%arg11 : memref<!tpu.dma_semaphore, #tpu.memory_space<semaphore_mem>>) src(%dma_wait3A_15 : memref<8192x32xf32, #tpu.memory_space<hbm>>) dst(%arg8 : memref<512x32xf32, #tpu.memory_space<vmem>>)
    "tpu.region"() ({
      %run_scoped3A = tpu.sem_alloc : memref<!tpu.dma_semaphore, #tpu.memory_space<semaphore_mem>>
      %dma_start3A_16 = arith.constant 0 : i32
      %dma_start3A_17 = tpu.memref_slice %arg5[%mul3A_2, %dma_start3A_16] : memref<16384x32xf32, #tpu.memory_space<hbm>> -> memref<512x32xf32, #tpu.memory_space<hbm>>
      %dma_start3A_18 = arith.constant 0 : i32
      %dma_start3A_19 = tpu.memref_slice %arg5[%mul3A_2, %dma_start3A_18] : memref<16384x32xf32, #tpu.memory_space<hbm>> -> memref<512x32xf32, #tpu.memory_space<hbm>>
      tpu.enqueue_dma source(%arg8 : memref<512x32xf32, #tpu.memory_space<vmem>>) target(%dma_start3A_19 : memref<512x32xf32, #tpu.memory_space<hbm>>) target_semaphore(%run_scoped3A : memref<!tpu.dma_semaphore, #tpu.memory_space<semaphore_mem>>)
      %dma_wait3A_20 = arith.constant 0 : i32
      %dma_wait3A_21 = tpu.memref_slice %arg5[%mul3A_2, %dma_wait3A_20] : memref<16384x32xf32, #tpu.memory_space<hbm>> -> memref<512x32xf32, #tpu.memory_space<hbm>>
      %dma_wait3A_22 = arith.constant 0 : i32
      %dma_wait3A_23 = tpu.memref_slice %arg5[%mul3A_2, %dma_wait3A_22] : memref<16384x32xf32, #tpu.memory_space<hbm>> -> memref<512x32xf32, #tpu.memory_space<hbm>>
      tpu.wait_dma2 semaphore(%run_scoped3A : memref<!tpu.dma_semaphore, #tpu.memory_space<semaphore_mem>>) src(%arg8 : memref<512x32xf32, #tpu.memory_space<vmem>>) dst(%dma_wait3A_23 : memref<512x32xf32, #tpu.memory_space<hbm>>)
      tpu.yield
    }) : () -> ()
    return
  }
}

module attributes {stable_mosaic.version = 14 : i64} {
  func.func @_argmin_body(%arg0: i32, %arg1: memref<512xf32, #tpu.memory_space<vmem>>, %arg2: memref<512x32xf32, #tpu.memory_space<vmem>>, %arg3: memref<8192x32xf32, #tpu.memory_space<vmem>>, %arg4: memref<8192xf32, #tpu.memory_space<vmem>>, %arg5: memref<512xi32, #tpu.memory_space<vmem>>, %arg6: memref<512xf32, #tpu.memory_space<vmem>>) attributes {dimension_semantics = [#tpu.dimension_semantics<arbitrary>], iteration_bounds = array<i64: 32>, scalar_prefetch = 0 : i64, scratch_operands = 0 : i64, tpu.core_type = #tpu.core_type<tc>, window_params = [{transform_indices = @transform_0, window_bounds = array<i64: 512>}, {transform_indices = @transform_1, window_bounds = array<i64: 512, 32>}, {pipeline_mode = #tpu.pipeline_mode<synchronous>, transform_indices = @transform_2, window_bounds = array<i64: 8192, 32>}, {pipeline_mode = #tpu.pipeline_mode<synchronous>, transform_indices = @transform_3, window_bounds = array<i64: 8192>}, {transform_indices = @transform_4, window_bounds = array<i64: 512>}, {transform_indices = @transform_5, window_bounds = array<i64: 512>}]} {
    %get3A = arith.constant 0 : index
    %get3A_0 = arith.constant 0 : index
    %get3A_1 = vector.load %arg2[%get3A, %get3A_0] : memref<512x32xf32, #tpu.memory_space<vmem>>, vector<512x32xf32>
    %get3A_2 = arith.constant 0 : index
    %get3A_3 = arith.constant 0 : index
    %get3A_4 = vector.load %arg3[%get3A_2, %get3A_3] : memref<8192x32xf32, #tpu.memory_space<vmem>>, vector<8192x32xf32>
    %dot_general3A = arith.constant dense<0.000000e+00> : vector<512x8192xf32>
    %dot_general3A_5 = tpu.matmul %get3A_1, %get3A_4, %dot_general3A {dimension_numbers = #tpu.dot_dimension_numbers<[1], [1], [0], [0], [0, 0, 1, 0], [], []>, transpose_lhs_hint = false} : vector<512x32xf32>, vector<8192x32xf32>, vector<512x8192xf32> -> vector<512x8192xf32>
    %get3A_6 = arith.constant 0 : index
    %get3A_7 = vector.load %arg4[%get3A_6] : memref<8192xf32, #tpu.memory_space<vmem>>, vector<8192xf32>
    %broadcast_in_dim3A = vector.shape_cast %get3A_7 : vector<8192xf32> to vector<1x8192xf32>
    %get3A_8 = arith.constant 0 : index
    %get3A_9 = vector.load %arg1[%get3A_8] : memref<512xf32, #tpu.memory_space<vmem>>, vector<512xf32>
    %broadcast_in_dim3A_10 = vector.shape_cast %get3A_9 : vector<512xf32> to vector<512x1xf32>
    %add3A = vector.broadcast %broadcast_in_dim3A : vector<1x8192xf32> to vector<512x8192xf32>
    %add3A_11 = vector.broadcast %broadcast_in_dim3A_10 : vector<512x1xf32> to vector<512x8192xf32>
    %add3A_12 = arith.addf %add3A, %add3A_11 : vector<512x8192xf32>
    %mul3A = arith.constant 2.000000e+00 : f32
    %mul3A_13 = vector.broadcast %mul3A : f32 to vector<512x8192xf32>
    %mul3A_14 = arith.mulf %mul3A_13, %dot_general3A_5 : vector<512x8192xf32>
    %sub3A = arith.subf %add3A_12, %mul3A_14 : vector<512x8192xf32>
    %reduce_min3A = arith.constant dense<0x7F800000> : vector<512xf32>
    %reduce_min3A_15 = vector.multi_reduction <minimumf>, %sub3A, %reduce_min3A [1] : vector<512x8192xf32> to vector<512xf32>
    %broadcast_in_dim3A_16 = vector.shape_cast %reduce_min3A_15 : vector<512xf32> to vector<512x1xf32>
    %iota3A = tpu.iota {dimensions = array<i32: 1>} : vector<512x8192xi32>
    %eq3A = vector.broadcast %broadcast_in_dim3A_16 : vector<512x1xf32> to vector<512x8192xf32>
    %eq3A_17 = arith.cmpf oeq, %sub3A, %eq3A : vector<512x8192xf32>
    %jit3A = arith.constant 8192 : i32
    %broadcast_in_dim3A_18 = vector.broadcast %jit3A : i32 to vector<512x8192xi32>
    %select_n3A = arith.select %eq3A_17, %iota3A, %broadcast_in_dim3A_18 : vector<512x8192xi1>, vector<512x8192xi32>
    %reduce_min3A_19 = arith.constant dense<2147483647> : vector<512xi32>
    %reduce_min3A_20 = vector.multi_reduction <minsi>, %select_n3A, %reduce_min3A_19 [1] : vector<512x8192xi32> to vector<512xi32>
    %swap3A = arith.constant 0 : index
    %swap3A_21 = vector.load %arg5[%swap3A] : memref<512xi32, #tpu.memory_space<vmem>>, vector<512xi32>
    tpu.vector_store %arg5[%swap3A], %reduce_min3A_20 {strides = array<i32>} : memref<512xi32, #tpu.memory_space<vmem>>, vector<512xi32>,
    %squeeze3A = vector.shape_cast %broadcast_in_dim3A_16 : vector<512x1xf32> to vector<512xf32>
    %swap3A_22 = arith.constant 0 : index
    %swap3A_23 = vector.load %arg6[%swap3A_22] : memref<512xf32, #tpu.memory_space<vmem>>, vector<512xf32>
    tpu.vector_store %arg6[%swap3A_22], %squeeze3A {strides = array<i32>} : memref<512xf32, #tpu.memory_space<vmem>>, vector<512xf32>,
    return
  }
  func.func @transform_0(%arg0: i32) -> i32 {
    %c0_i32 = arith.constant 0 : i32
    return %arg0 : i32
  }
  func.func @transform_1(%arg0: i32) -> (i32, i32) {
    %c0_i32 = arith.constant 0 : i32
    %c0_i32_0 = arith.constant 0 : i32
    return %arg0, %c0_i32 : i32, i32
  }
  func.func @transform_2(%arg0: i32) -> (i32, i32) {
    %c0_i32 = arith.constant 0 : i32
    %c0_i32_0 = arith.constant 0 : i32
    %c0_i32_1 = arith.constant 0 : i32
    return %c0_i32, %c0_i32_0 : i32, i32
  }
  func.func @transform_3(%arg0: i32) -> i32 {
    %c0_i32 = arith.constant 0 : i32
    %c0_i32_0 = arith.constant 0 : i32
    return %c0_i32 : i32
  }
  func.func @transform_4(%arg0: i32) -> i32 {
    %c0_i32 = arith.constant 0 : i32
    return %arg0 : i32
  }
  func.func @transform_5(%arg0: i32) -> i32 {
    %c0_i32 = arith.constant 0 : i32
    return %arg0 : i32
  }
}

</mosaic_0001>

<sc_bundles>
// kernel: kernel.4.cloned.1.call-start
scs
__scs_entry_jumppad:
0x0: {  	(pc) =	sbr.rel $0x88, $3  }
0x1: {  	(tag) =	ssettag $0x0;
	lr =	simm.s32 $0x1  }
0x2: {  	[smem:$0x3F9F] =	sst lr;
	_ =	strace $0xD0000000  }
0x3: {  	_ = 	snop  }
0x4: {  	_ = 	snop  }
0x5: {  	_ = 	snop  }
0x6: {  	_ = 	snop  }
0x7: {  	_ = 	snop  }
__scs_overlays_trampoline_lowered:
0x8: {  	[smem:$0x3FAE] =	sst s0  }
0x9: {  	[smem:$0x3FAF] =	sst s1  }
0xa: {  	[smem:$0x3FB0] =	sst s2  }
0xb: {  	[smem:$0x3FB1] =	sst s3  }
0xc: {  	[smem:$0x3FB2] =	sst s4  }
0xd: {  	[smem:$0x3FB3] =	sst s5  }
0xe: {  	[smem:$0x3FB4] =	sst s6  }
0xf: {  	[smem:$0x3FB5] =	sst s7  }
0x10: {  	[smem:$0x3FB6] =	sst s8  }
0x11: {  	[smem:$0x3FB7] =	sst s9;
	s0 =	simm.s32 @!p0 $0x0  }
0x12: {  	s1 =	sld [smem:$0x3F9D];
	s0 =	simm.s32 @p0 $0x1  }
0x13: {  	[smem:$0x3FB8] =	sst s0;
	s0 =	simm.s32 @!p1 $0x0  }
0x14: {  	s2 =	sld [smem:$0x3F9C];
	s0 =	simm.s32 @p1 $0x1  }
0x15: {  	[smem:$0x3FB9] =	sst s0;
	s0 =	simm.s32 @!p2 $0x0  }
0x16: {  	s3 =	sld [smem:$0x3FDB];
	s0 =	simm.s32 @p2 $0x1  }
0x17: {  	s4 =	simm.s32 $0x1BF5;
	[smem:$0x3FBB] =	sst s0  }
0x18: {  	s0 =	sld [smem:$0x3F9E];
	_ =	swait.ge [sflag:s4], $0x0  }
0x19: {  	s7 =	sld [smem:$0x3F9F]  }
0x1a: {  	s8 =	sadd.s32 $0xFFFFE003, lr  }
0x1b: {  	s9 =	sadd.s32 $0xFFFFFEF7, lr;
	s5 =	simm.s32 $0xFFFFFFFF;
	p2 =	slt.u32 s8, $0xFFFFF086  }
0x1c: {  	p1 =	slt.u32 s9, $0xF7A;
	s5 =	simm.s32 @!p2 $0x0  }
0x1d: {  	s5 =	simm.s32 @p1 $0x1;
	p0 =	seq.s32 s7, s2  }
0x1e: {  	s7 =	smul.u32 @!p0 $0xF7A, s2;
	p2 =	seq.s32 @!p0 s5, $0x0  }
0x1f: {  	s9 =	smul.u32 $0xF7A, s1;
	s8 =	simm.s32 @!p0 $0x1BF5;
	p2 =	por !p2, p0  }
0x20: {  	[sflag:s8] =	ssyncset.s32 @!p0 $0xFFFFF086;
	s6 =	sadd.s32 @!p0 s3, s7;
	s7 =	simm.s32 @!p0 $0x108  }
0x21: {  	s3 =	sadd.s32 s3, s9;
	s6 =	sadd.s32 @!p0 $0x88, s6;
	s7 =	simm.s32 @p2 $0x1082  }
0x22: {  	[simem:s7], [sflag:s8] =	dma.local @!p0 [hbm:s6], $0xF7A  }
0x23: {  	s9 =	sor.u32 $0xD0000000, s2;
	s6 =	simm.s32 $0x108;
	_ =	swait.ge @!p0 [sflag:s8], $0x0  }
0x24: {  	s3 =	sadd.s32 $0x88, s3;
	s6 =	simm.s32 @!p1 $0x1082;
	[sflag:s4] =	ssyncset.s32 $0xFFFFF086  }
0x25: {  	[simem:s6], [sflag:s4] =	dma.local [hbm:s3], $0xF7A  }
0x26: {  	[smem:$0x3F9F] =	sst s1;
	(tag) =	ssettag s2;
	_ =	strace s9  }
0x27: {  	s1 =	sld [smem:$0x3FAF]  }
0x28: {  	s2 =	sld [smem:$0x3FB0]  }
0x29: {  	s4 =	sld [smem:$0x3FB2]  }
0x2a: {  	p0 =	seq.s32 s5, $0x0;
	s5 =	sld [smem:$0x3FB3]  }
0x2b: {  	s6 =	sld [smem:$0x3FB4]  }
0x2c: {  	s7 =	sld [smem:$0x3FB5]  }
0x2d: {  	s3 =	simm.s32 $0x108;
	s8 =	sld [smem:$0x3FB6]  }
0x2e: {  	s3 =	simm.s32 @!p0 $0x1082;
	s9 =	sld [smem:$0x3FB7]  }
0x2f: {  	lr =	sadd.s32 s0, s3;
	s0 =	sld [smem:$0x3FAE]  }
0x30: {  	s3 =	sld [smem:$0x3FB1]  }
0x31: {  	[smem:$0x3FBA] =	sst s10  }
0x32: {  	s10 =	sld [smem:$0x3FB8];
	_ =	sdelay $0x3  }
0x33: {  	p0 =	seq.s32 s10, $0x1;
	s10 =	sld [smem:$0x3FBA];
	_ =	sdelay $0x3  }
0x34: {  	[smem:$0x3FBA] =	sst s10  }
0x35: {  	s10 =	sld [smem:$0x3FB9];
	_ =	sdelay $0x3  }
0x36: {  	p1 =	seq.s32 s10, $0x1;
	s10 =	sld [smem:$0x3FBA];
	_ =	sdelay $0x3  }
0x37: {  	[smem:$0x3FBA] =	sst s10  }
0x38: {  	s10 =	sld [smem:$0x3FBB]  }
0x39: {  	_ = 	snop;
	(pc) =	sbr.ind lr, $3  }
0x3a: {  	_ = 	snop  }
0x3b: {  	_ = 	snop  }
0x3c: {  	p2 =	seq.s32 s10, $0x1;
	s10 =	sld [smem:$0x3FBA]  }
0x3d: {  	_ =	shalt  }
0x3e: {  	_ =	shalt  }
0x3f: {  	_ =	shalt  }
0x40: {  	_ =	shalt  }
0x41: {  	_ =	shalt  }
0x42: {  	_ =	shalt  }
0x43: {  	_ =	shalt  }
0x44: {  	_ =	shalt  }
0x45: {  	_ =	shalt  }
0x46: {  	_ =	shalt  }
0x47: {  	_ =	shalt  }
0x48: {  	_ =	shalt  }
0x49: {  	_ =	shalt  }
0x4a: {  	_ =	shalt  }
0x4b: {  	_ =	shalt  }
0x4c: {  	_ =	shalt  }
0x4d: {  	_ =	shalt  }
0x4e: {  	_ =	shalt  }
0x4f: {  	_ =	shalt  }
0x50: {  	_ =	shalt  }
0x51: {  	_ =	shalt  }
0x52: {  	_ =	shalt  }
0x53: {  	_ =	shalt  }
0x54: {  	_ =	shalt  }
0x55: {  	_ =	shalt  }
0x56: {  	_ =	shalt  }
0x57: {  	_ =	shalt  }
0x58: {  	_ =	shalt  }
0x59: {  	_ =	shalt  }
0x5a: {  	_ =	shalt  }
0x5b: {  	_ =	shalt  }
0x5c: {  	_ =	shalt  }
0x5d: {  	_ =	shalt  }
0x5e: {  	_ =	shalt  }
0x5f: {  	_ =	shalt  }
0x60: {  	_ =	shalt  }
0x61: {  	_ =	shalt  }
0x62: {  	_ =	shalt  }
0x63: {  	_ =	shalt  }
0x64: {  	_ =	shalt  }
0x65: {  	_ =	shalt  }
0x66: {  	_ =	shalt  }
0x67: {  	_ =	shalt  }
0x68: {  	_ =	shalt  }
0x69: {  	_ =	shalt  }
0x6a: {  	_ =	shalt  }
0x6b: {  	_ =	shalt  }
0x6c: {  	_ =	shalt  }
0x6d: {  	_ =	shalt  }
0x6e: {  	_ =	shalt  }
0x6f: {  	_ =	shalt  }
0x70: {  	_ =	shalt  }
0x71: {  	_ =	shalt  }
0x72: {  	_ =	shalt  }
0x73: {  	_ =	shalt  }
0x74: {  	_ =	shalt  }
0x75: {  	_ =	shalt  }
0x76: {  	_ =	shalt  }
0x77: {  	_ =	shalt  }
0x78: {  	_ =	shalt  }
0x79: {  	_ =	shalt  }
0x7a: {  	_ =	shalt  }
0x7b: {  	_ =	shalt  }
0x7c: {  	_ =	shalt  }
0x7d: {  	_ =	shalt  }
0x7e: {  	_ =	shalt  }
0x7f: {  	_ =	shalt  }
0x80: {  	_ =	shalt  }
0x81: {  	_ =	shalt  }
0x82: {  	_ =	shalt  }
0x83: {  	_ =	shalt  }
0x84: {  	_ =	shalt  }
0x85: {  	_ =	shalt  }
0x86: {  	_ =	shalt  }
0x87: {  	_ =	shalt  }
.Lfunc_end0:
.L_simem_size_0:
called_computation_lowered:
.L_overlay_start_0:
0x88: {  	s2 =	sld [smem:$0x3FD9]  }
0x89: {  	s3 =	sld [smem:$0x3FFE];
	_ =	sdelay $0x1  }
0x8a: {  	s1 =	srdreg.scid  }
0x8b: {  	s0 =	sand.u32 $0x1, s1  }
0x8c: {  	s14 =	sshll.u32 s0, $0xA;
	s2 =	sadd.s32 s3, s2  }
0x8d: {  	s2 =	sadd.s32 s2, s14  }
0x8e: {  	[smem:$0x3FC6] =	sst s2  }
0x8f: {  	_ = 	snop  }
0x90: {  	s2 =	sld [smem:$0x3FD0];
	_ =	sdelay $0x2  }
0x91: {  	s15 =	simm.s32 $0xA;
	s4 =	simm.s32 $0x10  }
0x92: {  	[smem:s4], [sflag:s15] =	dma.local [hbm:s2], $0x1  }
0x93: {  	_ =	swait.eq [sflag:s15], $0x1  }
0x94: {  	[sflag:s15] =	ssyncset.done $0x0  }
0x95: {  	[sflag:s15] =	ssyncadd.s32 $0xFFFFFFFF  }
0x96: {  	s16 =	sld [smem:$0x11];
	(tm) =	ssettm $0x1  }
0x97: {  	s17 =	sld [smem:$0x3FFB];
	_ =	sdelay $0x3  }
0x98: {  	_ =	strace s17  }
0x99: {  	s3 =	sld [smem:$0x3FFC];
	_ =	sdelay $0x3  }
0x9a: {  	_ =	strace s3  }
0x9b: {  	s3 =	sld [smem:$0x3FFD];
	_ =	sdelay $0x3  }
0x9c: {  	_ =	strace s3  }
0x9d: {  	_ =	strace $0x8FFFFFFF  }
0x9e: {  	s18 =	sld [smem:$0x3FDB];
	_ =	sdelay $0x1  }
0x9f: {  	s19 =	simm.s32 $_scs_section_size  }
0xa0: {  	s5 =	simm.s32 $_size__tile_overlayer_lowered;
	s6 =	simm.s32 $_tile_overlayer_lowered  }
0xa1: {  	s22 =	simm.s32 $0x1BFF;
	s21 =	sshll.u32 s6, $0x1;
	s3 =	sadd.s32 s19, s18  }
0xa2: {  	s7 =	simm.s32 $0x0;
	s20 =	sshll.u32 s5, $0x1;
	s5 =	sadd.s32 s21, s3  }
0xa3: {  	[timem:s7], [sflag:s22] =	dma.local [hbm:s5], s20  }
0xa4: {  	_ =	swait.ge [sflag:s22], s20  }
0xa5: {  	s4 =	ssub.s32 $0x0, s20;
	[sflag:s22] =	ssyncset.done $0x0  }
0xa6: {  	[sflag:s22] =	ssyncadd.s32 s4;
	_ =	sdelay $0x1  }
0xa7: {  	s23 =	simm.s32 $0x1B8B  }
0xa8: {  	_ =	swait.ge [sflag:s23], $0x1  }
0xa9: {  	[sflag:s23] =	ssyncset.done $0x0  }
0xaa: {  	s25 =	simm.s32 $0x1B8E;
	s24 =	sld [smem:$0x3FFE];
	[sflag:s23] =	ssyncadd.s32 $0xFFFFFFFF  }
0xab: {  	s26 =	simm.s32 $execute0_lowered;
	[smem:$0x3FD2] =	sst s25  }
0xac: {  	s5 =	sshll.u32 s26, $0x1;
	_ =	strace $0x80000046;
	[dreg:$0x1] =	wrdreg $0xFFFFFFFF  }
0xad: {  	s28 =	simm.s32 $_size_execute0_lowered;
	s3 =	sadd.s32 s3, s5;
	[dreg:$0x0] =	wrdreg $0x0  }
0xae: {  	s5 =	sshll.u32 s28, $0x1;
	[dreg:$0x2] =	wrdreg s3  }
0xaf: {  	[dreg:$0x3] =	wrdreg s5  }
0xb0: {  	[dreg:$0x4] =	wrdreg $0xC0  }
0xb1: {  	_ =	task [dreg:s7], $0x5FFFF  }
0xb2: {  	[dreg:$0x1] =	wrdreg $0xFFFFFFFF  }
0xb3: {  	[dreg:$0x0] =	wrdreg $0x60  }
0xb4: {  	[dreg:$0x2] =	wrdreg s24  }
0xb5: {  	[dreg:$0x3] =	wrdreg s16  }
0xb6: {  	[dreg:$0x4] =	wrdreg $0x9  }
0xb7: {  	_ =	task.clear_ibuf [dreg:s7], $0x5FFFF;
	_ =	strace $0x90000046  }
0xb8: {  	s29 =	simm.s32 $0x9;
	_ =	strace $0x80000048  }
0xb9: {  	_ =	swait.ge [sflag:s29], $0x1  }
0xba: {  	[sflag:s29] =	ssyncadd.s32 $0xFFFFFFFF  }
0xbb: {  	_ =	strace $0x90000048  }
0xbc: {  	_ =	sfence  }
0xbd: {  	s30 =	sld [smem:$0x0];
	_ =	sdelay $0x2  }
0xbe: {  	s31 =	sshll.u32 s1, $0xD;
	s1 =	sshrl.u32 s1, $0x2  }
0xbf: {  	s3 =	sand.u32 $0x4000, s31;
	s1 =	sadd.s32 s1, s30  }
0xc0: {  	s0 =	sor.u32 s3, s0;
	s1 =	sshll.u32 s1, $0x11  }
0xc1: {  	s0 =	sor.u32 s1, s0  }
0xc2: {  	s0 =	sadd.s32 $0x8F2B, s0  }
0xc3: {  	[sflag:s0] =	ssyncadd.remote.s32 $0x1  }
0xc4: {  	_ =	sfence.sel $0xFFFF  }
0xc5: {  	[dreg:$0x0] =	wrdreg $0xFFFFFFFF;
	(pc) =	sbr.abs _section_cstart, $3  }
0xc6: {  	[dreg:$0x1] =	wrdreg $0xFFFFFFFF  }
0xc7: {  	_ =	task.clear_ibuf [dreg:s7], $0x2FFFF;
	_ =	strace $0x9FFFFFFF  }
0xc8: {  	(tm) =	ssettm $0x7FFFFFFF  }
0xc9: {  	_ =	shalt  }
tec
execute0_lowered:
.L_overlay_start_1:
0x0: {  	(tag) =	ssettag $0x1  }
0x1: {  	s4 =	rddreg [dreg:$0x0]  }
0x2: {  	s7 =	rddreg [dreg:$0x1]  }
0x3: {  	s0 =	rddreg [dreg:$0x2];
	s2 =	simm.s32 $0x0  }
0x4: {  	s3 =	srdreg.scid;
	s1 =	stileid.u32;
	s11 =	simm.s32 $0x4200  }
0x5: {  	s12 =	simm.s32 $0x4400;
	s13 =	simm.s32 $0x1;
	s14 =	simm.s32 $0x0  }
0x6: {  	[smem:$0x7FF] =	sst s2;
	s5 =	sand.u32 $0x1, s3;
	s6 =	sshll.u32 s1, $0x1  }
0x7: {  	s3 =	sadd.s32 $0x200, s4;
	_ =	strace $0x80000047;
	s6 =	sor.u32 s5, s6  }
0x8: {  	s5 =	ssub.s32 $0x2, s5;
	s8 =	sshll.u32 s6, $0x6;
	s9 =	sshll.u32 s6, $0x1  }
0x9: {  	s10 =	sshrl.u32 s5, $0x1;
	s31 =	sshll.u32 s6, $0xB;
	s8 =	sadd.s32 s8, s4  }
0xa: {  	s9 =	sadd.s32 s9, s4;
	s10 =	ssub.s32 s5, s10;
	s7 =	sadd.s32 s7, s31  }
0xb: {  	s4 =	sadd.s32 $0x8200, s8;
	s5 =	sadd.s32 $0x8A00, s8;
	s6 =	sadd.s32 $0x9200, s9  }
0xc: {  	s8 =	smax.u32 s10, $0x1;
	s9 =	simm.s32 $0x2;
	s10 =	simm.s32 $0x200  }
.LBB2_1:
0xd: {  	[tilespmem:s2], [sflag:$0x2] =	stream.linear.gather [hbm4b:s4+s2], $0x200, $0x38;
	[tilespmem:$0x4410] =	vst v63  }
0xe: {  	_ =	swait.ge [sflag:s9], $0x200  }
0xf: {  	[sflag:s9] =	ssyncset.done $0x0  }
0x10: {  	[sflag:s9] =	ssyncadd.s32 $0xFFFFFE00  }
0x11: {  	[tilespmem:s10], [sflag:$0x1] =	stream.indirect.gather [hbm4b:s3+s10], $0x20, s2, s10, $0xb8;
	[tilespmem:$0x4410] =	vst v63  }
0x12: {  	_ = 	snop  }
0x13: {  	[tilespmem:s11], [sflag:$0x2] =	stream.linear.gather [hbm4b:s5+s2], $0x200, $0x38;
	[tilespmem:$0x4410] =	vst v63  }
0x14: {  	_ =	swait.ge [sflag:s9], $0x200  }
0x15: {  	[sflag:s9] =	ssyncset.done $0x0  }
0x16: {  	v0 =	vimm.f32 $0.0e+00;
	[sflag:s9] =	ssyncadd.s32 $0xFFFFFE00  }
0x17: {  	s16 =	simm.s32 $0x0;
	s15 =	simm.s32 $0x40;
	[tilespmem:$0x4400] =	vst v0  }
.LBB2_2:
0x18: {  	p0 =	sne.s32 s15, $0x7C0;
	v1 =	vld [tilespmem:s16+$0x4200];
	_ =	sdelay $0x2  }
.Ltmp0:
0x19: {  	(pc) =	sbr.rel @p0 .LBB2_2-.Ltmp0, $3  }
0x1a: {  	_ = 	snop  }
0x1b: {  	v0 =	vadd.f32 v1, v0;
	_ =	sdelay $0x1  }
0x1c: {  	s16 =	sshra.s32 s15, $0x2;
	s15 =	sadd.s32 $0x40, s15;
	[tilespmem:$0x4400] =	vst v0  }
0x1d: {  	v1 =	vld [tilespmem:s16+$0x4200];
	_ =	sdelay $0x4  }
0x1e: {  	v0 =	vadd.f32 v1, v0;
	_ =	sdelay $0x1  }
0x1f: {  	[tilespmem:$0x4400] =	vst v0  }
0x20: {  	[hbm4b:s6+s2] =	stream.linear.scatter [tilespmem:s12], [sflag:$0x2], $0x10, $0x38;
	[tilespmem:$0x4410] =	vst v63  }
0x21: {  	_ =	swait.ge [sflag:s9], $0x10  }
0x22: {  	[sflag:s9] =	ssyncset.done $0x0  }
0x23: {  	[sflag:s9] =	ssyncadd.s32 $0xFFFFFFF0  }
0x24: {  	s14 =	sadd.s32 $0x1, s14;
	_ =	swait.ge [sflag:s13], $0x4000  }
0x25: {  	p0 =	sne.s32 s14, s8;
	[sflag:s13] =	ssyncset.done $0x0  }
.Ltmp1:
0x26: {  	[sflag:s13] =	ssyncadd.s32 $0xFFFFC000;
	(pc) =	sbr.rel @p0 .LBB2_1-.Ltmp1, $4  }
0x27: {  	[hbm4b:s7+s2] =	stream.linear.scatter [tilespmem:s10], [sflag:$0x2], $0x4000, $0x38;
	[tilespmem:$0x4410] =	vst v63  }
0x28: {  	_ =	swait.ge [sflag:s9], $0x4000  }
0x29: {  	[sflag:s9] =	ssyncset.done $0x0  }
0x2a: {  	[sflag:s9] =	ssyncadd.s32 $0xFFFFC000  }
0x2b: {  	_ =	sfence.sel $0x180000  }
0x2c: {  	[bflag:$0x0] =	sbarrier.arrive $0xFFFF  }
0x2d: {  	p0 =	sne.s32 s1, $0x0;
	_ =	strace $0x90000047  }
0x2e: {  	s0 =	sadd.s32 @!p0 $0x100000, s0;
	[bflag:$0x2] =	sbarrier.arrive $0xFFFF  }
0x2f: {  	[sflag:s0] =	ssyncadd.tile.s32 @!p0 $0x1;
	_ =	shalt  }
.Lfunc_end2:
_tile_overlayer_lowered:
.L_overlay_start_2:
0x30: {  	(tag) =	ssettag $0x2  }
0x31: {  	s0 =	rddreg [dreg:$0x0];
	s2 =	stileid.u32  }
0x32: {  	s1 =	rddreg [dreg:$0x1];
	p0 =	sne.s32 s2, $0x0  }
0x33: {  	s3 =	rddreg [dreg:$0x2];
	[bflag:$0x3] =	sbarrier.arrive $0xFFFF;
	s2 =	simm.s32 @!p0 $0x1C02  }
0x34: {  	[timem:s3], [sflag:s2] =	dma.local @!p0 [hbm:s0], s1  }
0x35: {  	s0 =	simm.s32 @!p0 $0x2  }
0x36: {  	_ =	swait.ge @!p0 [sflag:s0], s1  }
0x37: {  	s1 =	ssub.s32 @!p0 $0x0, s1;
	[sflag:s0] =	ssyncset.done @!p0 $0x0  }
0x38: {  	[sflag:s0] =	ssyncadd.s32 @!p0 s1  }
0x39: {  	[bflag:$0x3] =	sbarrier.arrive $0xFFFF  }
0x3a: {  	_ =	shalt  }

</sc_bundles>
